<compile_context>
chip_gen: v7x
topology: tpu7x:2x2x1
jax: 0.10.2.dev20260603
libtpu: 0.0.44.dev20260713+nightly
codegen_flags: <defaults>
</compile_context>

<pallas_src>
import functools

import jax
import jax.numpy as jnp
from jax import lax
from jax.experimental import pallas as pl
from jax.experimental.pallas import tpu as pltpu
from jax.experimental.pallas import tpu_sc as plsc

_L = 16
_NW = 32
_UNROLL = 8
_NACC = 4


def _shuffle(v, perm):
    dnums = lax.GatherDimensionNumbers(
        offset_dims=(), collapsed_slice_dims=(0,), start_index_map=(0,)
    )
    return lax.gather(
        v, perm[:, None], dimension_numbers=dnums, slice_sizes=(1,),
        mode=lax.GatherScatterMode.PROMISE_IN_BOUNDS,
    )


def _argmax_rows_kernel(R_SC, N, RPW_PAD, x_hbm, out_hbm, buf, res, sem):
    RPW = R_SC // _NW
    CHUNKS = N // _L
    ITERS = CHUNKS // _UNROLL

    wid = lax.axis_index("s") * 2 + lax.axis_index("c")
    base = wid * RPW

    lanes = lax.broadcasted_iota(jnp.int32, (_L,), 0)
    neg_inf = jnp.full((_L,), -jnp.inf, jnp.float32)
    zeros_i = jnp.zeros((_L,), jnp.int32)

    pltpu.async_copy(x_hbm.at[base], buf.at[pl.ds(0, N)], sem)

    def row_body(r, carry):
        del carry
        p = lax.rem(r, 2)
        pltpu.make_async_copy(x_hbm.at[0], buf.at[pl.ds(0, N)], sem).wait()

        @pl.when(r + 1 < RPW)
        def _():
            pn = lax.rem(r + 1, 2)
            pltpu.async_copy(
                x_hbm.at[base + r + 1], buf.at[pl.ds(pn * N, N)], sem
            )

        off0 = p * N

        def chunk_body(i, acc):
            accs = list(acc)
            cbase = i * _UNROLL
            for j in range(_UNROLL):
                a = j % _NACC
                cid = cbase + j
                v = buf[pl.ds(off0 + cid * _L, _L)]
                vmax, vchk = accs[2 * a], accs[2 * a + 1]
                m = v > vmax
                accs[2 * a] = jnp.where(m, v, vmax)
                accs[2 * a + 1] = jnp.where(
                    m, jnp.full((_L,), cid, jnp.int32), vchk
                )
            return tuple(accs)

        init = (neg_inf, zeros_i) * _NACC
        acc = lax.fori_loop(0, ITERS, chunk_body, init)

        def merge(va, ca, vb, cb):
            take_b = (vb > va) | ((vb == va) & (cb < ca))
            return jnp.where(take_b, vb, va), jnp.where(take_b, cb, ca)

        v01, c01 = merge(acc[0], acc[1], acc[2], acc[3])
        v23, c23 = merge(acc[4], acc[5], acc[6], acc[7])
        vmax, vchk = merge(v01, c01, v23, c23)

        fi = vchk * _L + lanes
        v = vmax
        for s in (1, 2, 4, 8):
            perm = lanes ^ s
            pv = _shuffle(v, perm)
            pfi = _shuffle(fi, perm)
            take_p = (pv > v) | ((pv == v) & (pfi < fi))
            v = jnp.where(take_p, pv, v)
            fi = jnp.where(take_p, pfi, fi)

        blk = lax.mul(lax.div(r, _L), _L)
        lane = lax.rem(r, _L)
        cur = res[pl.ds(blk, _L)]
        res[pl.ds(blk, _L)] = jnp.where(lanes == lane, fi, cur)
        return 0

    lax.fori_loop(0, RPW, row_body, 0)

    pltpu.sync_copy(res, out_hbm.at[pl.ds(wid * RPW_PAD, RPW_PAD)])


_BR = 64


def _argmax_tc_body(N, x_ref, o_ref):
    xb = x_ref[...]
    vmax = jnp.max(xb, axis=1)
    iota = lax.broadcasted_iota(jnp.int32, (_BR, N), 1)
    cand = jnp.where(xb == vmax[:, None], iota, jnp.int32(2**31 - 1))
    o_ref[...] = jnp.min(cand, axis=1)[None, None, :]


def _argmax_tc(x2, R_SC, R_TC, N):
    roff = R_SC // _BR
    out = pl.pallas_call(
        functools.partial(_argmax_tc_body, N),
        grid=(R_TC // _BR,),
        in_specs=[pl.BlockSpec((_BR, N), lambda i: (i + roff, 0))],
        out_specs=pl.BlockSpec((1, 1, _BR), lambda i: (i, 0, 0)),
        out_shape=jax.ShapeDtypeStruct((R_TC // _BR, 1, _BR), jnp.int32),
        compiler_params=pltpu.CompilerParams(
            dimension_semantics=("arbitrary",),
        ),
    )(x2)
    return out.reshape(R_TC)


def kernel(x):
    B1, B2, N = x.shape
    R = B1 * B2
    R_SC = 896
    R_TC = R - R_SC
    assert R_SC % _NW == 0 and N % (_L * _UNROLL) == 0
    assert R_TC % _BR == 0
    RPW = R_SC // _NW
    RPW_PAD = -(-RPW // _L) * _L

    x2 = x.reshape(R, N)
    mesh = plsc.VectorSubcoreMesh(core_axis_name="c", subcore_axis_name="s")
    run = pl.kernel(
        functools.partial(_argmax_rows_kernel, R_SC, N, RPW_PAD),
        out_type=jax.ShapeDtypeStruct((_NW * RPW_PAD,), jnp.int32),
        mesh=mesh,
        scratch_types=[
            pltpu.VMEM((2 * N,), jnp.float32),
            pltpu.VMEM((RPW_PAD,), jnp.int32),
            pltpu.SemaphoreType.DMA,
        ],
    )
    out_sc = run(x2).reshape(_NW, RPW_PAD)[:, :RPW].reshape(-1)
    out_tc = _argmax_tc(x2, R_SC, R_TC, N)
    out = jnp.concatenate([out_sc, out_tc])
    return out.reshape(B1, B2)

# --- scband reference (transcript-rebuilt; emitter-appended) ---
"""Pipeline reference for scband-model-new-4810363371950 (READ-ONLY COPY).

The authoritative reference and input builder live on the scoring server;
editing this copy changes nothing except your own understanding.
"""

import jax, jax.numpy as jnp
import numpy as np

def setup_inputs(seed: int = 0) -> dict:
    key = jax.random.key(seed)
    x = jax.random.normal(key, (64, 32, 32768), dtype=jnp.float32)
    return {"x": x}

def reference(x):
    # Faithful to the module's math: argmax along dim=2.
    # (The custom CUDA kernel is a buggy reimplementation of torch.argmax;
    #  the CPU fallback and intent is torch.argmax(x, dim=2).)
    return jnp.argmax(x, axis=2)

if __name__ == "__main__":
    import jax
    _d = setup_inputs()
    print(jax.jit(kernel)(*tuple(_d.values())))

</pallas_src>

<mosaic_0001>
#map = affine_map<(d0, d1) -> (0, 0)>
#map1 = affine_map<(d0, d1) -> (0)>
module attributes {stable_mosaic.version = 14 : i64} {
  func.func @_argmax_rows_kernel(%arg0: i32, %arg1: i32, %arg2: memref<2048x32768xf32, #tpu.memory_space<hbm>>, %arg3: memref<1024xi32, #tpu.memory_space<hbm>>, %arg4: memref<65536xf32, #tpu.memory_space<vmem>>, %arg5: memref<32xi32, #tpu.memory_space<vmem>>, %arg6: memref<!tpu.dma_semaphore, #tpu.memory_space<semaphore_mem>>) attributes {dimension_semantics = [#tpu.dimension_semantics<core_parallel>, #tpu.dimension_semantics<subcore_parallel>], iteration_bounds = array<i64: 2, 16>, scalar_prefetch = 0 : i64, scratch_operands = 3 : i64, tpu.core_type = #tpu.core_type<sc_vector_subcore>, window_params = [{transform_indices = #map}, {transform_indices = #map1}]} {
    %mul3A = arith.constant 2 : i32
    %mul3A_0 = arith.muli %arg1, %mul3A : i32
    %add3A = arith.addi %mul3A_0, %arg0 : i32
    %mul3A_1 = arith.constant 28 : i32
    %mul3A_2 = arith.muli %add3A, %mul3A_1 : i32
    %iota3A = tpu.iota {dimensions = array<i32: 0>} : vector<16xi32>
    %broadcast_in_dim3A = arith.constant 0xFF800000 : f32
    %broadcast_in_dim3A_3 = vector.broadcast %broadcast_in_dim3A : f32 to vector<16xf32>
    %broadcast_in_dim3A_4 = arith.constant 0 : i32
    %broadcast_in_dim3A_5 = vector.broadcast %broadcast_in_dim3A_4 : i32 to vector<16xi32>
    %dma_start3A = arith.constant 0 : i32
    %dma_start3A_6 = tpu.memref_slice %arg4[%dma_start3A] : memref<65536xf32, #tpu.memory_space<vmem>> -> memref<32768xf32, #tpu.memory_space<vmem>>
    %dma_start3A_7 = arith.constant 0 : i32
    %dma_start3A_8 = tpu.memref_slice %arg2[%mul3A_2, %dma_start3A_7] : memref<2048x32768xf32, #tpu.memory_space<hbm>> -> memref<1x32768xf32, #tpu.memory_space<hbm>>
    %dma_start3A_9 = tpu.memref_squeeze %dma_start3A_8 : memref<1x32768xf32, #tpu.memory_space<hbm>> -> memref<32768xf32, #tpu.memory_space<hbm>>
    %dma_start3A_10 = arith.constant 0 : i32
    %dma_start3A_11 = tpu.memref_slice %arg4[%dma_start3A_10] : memref<65536xf32, #tpu.memory_space<vmem>> -> memref<32768xf32, #tpu.memory_space<vmem>>
    %dma_start3A_12 = arith.constant 0 : i32
    %dma_start3A_13 = tpu.memref_slice %arg2[%mul3A_2, %dma_start3A_12] : memref<2048x32768xf32, #tpu.memory_space<hbm>> -> memref<1x32768xf32, #tpu.memory_space<hbm>>
    %dma_start3A_14 = tpu.memref_squeeze %dma_start3A_13 : memref<1x32768xf32, #tpu.memory_space<hbm>> -> memref<32768xf32, #tpu.memory_space<hbm>>
    tpu.enqueue_dma source(%dma_start3A_14 : memref<32768xf32, #tpu.memory_space<hbm>>) target(%dma_start3A_11 : memref<32768xf32, #tpu.memory_space<vmem>>) target_semaphore(%arg6 : memref<!tpu.dma_semaphore, #tpu.memory_space<semaphore_mem>>)
    %scan3A = arith.constant 0 : i32
    %scan3A_15 = arith.constant 0 : i32
    %scan3A_16 = arith.constant 28 : i32
    %scan3A_17 = arith.addi %scan3A_15, %scan3A_16 : i32
    %scan3A_18 = arith.constant 1 : i32
    %scan3A_19 = scf.for %scan3A_23 = %scan3A_15 to %scan3A_17 step %scan3A_18 iter_args(%scan3A_24 = %scan3A) -> (i32)  : i32 {
      %rem3A = arith.constant 2 : i32
      %rem3A_25 = arith.remsi %scan3A_23, %rem3A : i32
      %dma_wait3A = arith.constant 0 : i32
      %dma_wait3A_26 = arith.constant 0 : i32
      %dma_wait3A_27 = tpu.memref_slice %arg4[%dma_wait3A_26] : memref<65536xf32, #tpu.memory_space<vmem>> -> memref<32768xf32, #tpu.memory_space<vmem>>
      %dma_wait3A_28 = arith.constant 0 : i32
      %dma_wait3A_29 = tpu.memref_slice %arg2[%dma_wait3A, %dma_wait3A_28] : memref<2048x32768xf32, #tpu.memory_space<hbm>> -> memref<1x32768xf32, #tpu.memory_space<hbm>>
      %dma_wait3A_30 = tpu.memref_squeeze %dma_wait3A_29 : memref<1x32768xf32, #tpu.memory_space<hbm>> -> memref<32768xf32, #tpu.memory_space<hbm>>
      %dma_wait3A_31 = arith.constant 0 : i32
      %dma_wait3A_32 = tpu.memref_slice %arg4[%dma_wait3A_31] : memref<65536xf32, #tpu.memory_space<vmem>> -> memref<32768xf32, #tpu.memory_space<vmem>>
      %dma_wait3A_33 = arith.constant 0 : i32
      %dma_wait3A_34 = tpu.memref_slice %arg2[%dma_wait3A, %dma_wait3A_33] : memref<2048x32768xf32, #tpu.memory_space<hbm>> -> memref<1x32768xf32, #tpu.memory_space<hbm>>
      %dma_wait3A_35 = tpu.memref_squeeze %dma_wait3A_34 : memref<1x32768xf32, #tpu.memory_space<hbm>> -> memref<32768xf32, #tpu.memory_space<hbm>>
      tpu.wait_dma2 semaphore(%arg6 : memref<!tpu.dma_semaphore, #tpu.memory_space<semaphore_mem>>) src(%dma_wait3A_35 : memref<32768xf32, #tpu.memory_space<hbm>>) dst(%dma_wait3A_32 : memref<32768xf32, #tpu.memory_space<vmem>>)
      %add3A_36 = arith.constant 1 : i32
      %add3A_37 = arith.addi %scan3A_23, %add3A_36 : i32
      %lt3A = arith.constant 28 : i32
      %lt3A_38 = arith.cmpi slt, %add3A_37, %lt3A : i32
      %convert_element_type3A = arith.extui %lt3A_38 : i1 to i32
      %cond3A = arith.constant 0 : i32
      %cond3A_39 = arith.cmpi ne, %convert_element_type3A, %cond3A : i32
      scf.if %cond3A_39 {
        %add3A_144 = arith.constant 1 : i32
        %add3A_145 = arith.addi %scan3A_23, %add3A_144 : i32
        %rem3A_146 = arith.constant 2 : i32
        %rem3A_147 = arith.remsi %add3A_145, %rem3A_146 : i32
        %add3A_148 = arith.addi %mul3A_2, %scan3A_23 : i32
        %add3A_149 = arith.constant 1 : i32
        %add3A_150 = arith.addi %add3A_148, %add3A_149 : i32
        %mul3A_151 = arith.constant 32768 : i32
        %mul3A_152 = arith.muli %rem3A_147, %mul3A_151 : i32
        %dma_start3A_153 = tpu.memref_slice %arg4[%mul3A_152] : memref<65536xf32, #tpu.memory_space<vmem>> -> memref<32768xf32, #tpu.memory_space<vmem>>
        %dma_start3A_154 = arith.constant 0 : i32
        %dma_start3A_155 = tpu.memref_slice %arg2[%add3A_150, %dma_start3A_154] : memref<2048x32768xf32, #tpu.memory_space<hbm>> -> memref<1x32768xf32, #tpu.memory_space<hbm>>
        %dma_start3A_156 = tpu.memref_squeeze %dma_start3A_155 : memref<1x32768xf32, #tpu.memory_space<hbm>> -> memref<32768xf32, #tpu.memory_space<hbm>>
        %dma_start3A_157 = tpu.memref_slice %arg4[%mul3A_152] : memref<65536xf32, #tpu.memory_space<vmem>> -> memref<32768xf32, #tpu.memory_space<vmem>>
        %dma_start3A_158 = arith.constant 0 : i32
        %dma_start3A_159 = tpu.memref_slice %arg2[%add3A_150, %dma_start3A_158] : memref<2048x32768xf32, #tpu.memory_space<hbm>> -> memref<1x32768xf32, #tpu.memory_space<hbm>>
        %dma_start3A_160 = tpu.memref_squeeze %dma_start3A_159 : memref<1x32768xf32, #tpu.memory_space<hbm>> -> memref<32768xf32, #tpu.memory_space<hbm>>
        tpu.enqueue_dma source(%dma_start3A_160 : memref<32768xf32, #tpu.memory_space<hbm>>) target(%dma_start3A_157 : memref<32768xf32, #tpu.memory_space<vmem>>) target_semaphore(%arg6 : memref<!tpu.dma_semaphore, #tpu.memory_space<semaphore_mem>>)
      } else {
      }
      %mul3A_40 = arith.constant 32768 : i32
      %mul3A_41 = arith.muli %rem3A_25, %mul3A_40 : i32
      %scan3A_42 = arith.constant 0 : i32
      %scan3A_43 = arith.constant 256 : i32
      %scan3A_44 = arith.addi %scan3A_42, %scan3A_43 : i32
      %scan3A_45 = arith.constant 1 : i32
      %scan3A_46:8 = scf.for %scan3A_144 = %scan3A_42 to %scan3A_44 step %scan3A_45 iter_args(%scan3A_145 = %broadcast_in_dim3A_3, %scan3A_146 = %broadcast_in_dim3A_5, %scan3A_147 = %broadcast_in_dim3A_3, %scan3A_148 = %broadcast_in_dim3A_5, %scan3A_149 = %broadcast_in_dim3A_3, %scan3A_150 = %broadcast_in_dim3A_5, %scan3A_151 = %broadcast_in_dim3A_3, %scan3A_152 = %broadcast_in_dim3A_5) -> (vector<16xf32>, vector<16xi32>, vector<16xf32>, vector<16xi32>, vector<16xf32>, vector<16xi32>, vector<16xf32>, vector<16xi32>)  : i32 {
        %mul3A_153 = arith.constant 8 : i32
        %mul3A_154 = arith.muli %scan3A_144, %mul3A_153 : i32
        %add3A_155 = arith.constant 0 : i32
        %add3A_156 = arith.addi %mul3A_154, %add3A_155 : i32
        %mul3A_157 = arith.constant 16 : i32
        %mul3A_158 = arith.muli %add3A_156, %mul3A_157 : i32
        %add3A_159 = arith.addi %mul3A_41, %mul3A_158 : i32
        %get3A_160 = arith.index_cast %add3A_159 : i32 to index
        %get3A_161 = tpu.vector_load %arg4[%get3A_160] {strides = array<i32>} : memref<65536xf32, #tpu.memory_space<vmem>>, vector<16xf32>,
        %get3A_162 = vector.shape_cast %get3A_161 : vector<16xf32> to vector<16xf32>
        %gt3A_163 = arith.cmpf ogt, %get3A_162, %scan3A_145 : vector<16xf32>
        %select_n3A_164 = arith.select %gt3A_163, %get3A_162, %scan3A_145 : vector<16xi1>, vector<16xf32>
        %broadcast_in_dim3A_165 = vector.broadcast %add3A_156 : i32 to vector<16xi32>
        %select_n3A_166 = arith.select %gt3A_163, %broadcast_in_dim3A_165, %scan3A_146 : vector<16xi1>, vector<16xi32>
        %add3A_167 = arith.constant 1 : i32
        %add3A_168 = arith.addi %mul3A_154, %add3A_167 : i32
        %mul3A_169 = arith.constant 16 : i32
        %mul3A_170 = arith.muli %add3A_168, %mul3A_169 : i32
        %add3A_171 = arith.addi %mul3A_41, %mul3A_170 : i32
        %get3A_172 = arith.index_cast %add3A_171 : i32 to index
        %get3A_173 = tpu.vector_load %arg4[%get3A_172] {strides = array<i32>} : memref<65536xf32, #tpu.memory_space<vmem>>, vector<16xf32>,
        %get3A_174 = vector.shape_cast %get3A_173 : vector<16xf32> to vector<16xf32>
        %gt3A_175 = arith.cmpf ogt, %get3A_174, %scan3A_147 : vector<16xf32>
        %select_n3A_176 = arith.select %gt3A_175, %get3A_174, %scan3A_147 : vector<16xi1>, vector<16xf32>
        %broadcast_in_dim3A_177 = vector.broadcast %add3A_168 : i32 to vector<16xi32>
        %select_n3A_178 = arith.select %gt3A_175, %broadcast_in_dim3A_177, %scan3A_148 : vector<16xi1>, vector<16xi32>
        %add3A_179 = arith.constant 2 : i32
        %add3A_180 = arith.addi %mul3A_154, %add3A_179 : i32
        %mul3A_181 = arith.constant 16 : i32
        %mul3A_182 = arith.muli %add3A_180, %mul3A_181 : i32
        %add3A_183 = arith.addi %mul3A_41, %mul3A_182 : i32
        %get3A_184 = arith.index_cast %add3A_183 : i32 to index
        %get3A_185 = tpu.vector_load %arg4[%get3A_184] {strides = array<i32>} : memref<65536xf32, #tpu.memory_space<vmem>>, vector<16xf32>,
        %get3A_186 = vector.shape_cast %get3A_185 : vector<16xf32> to vector<16xf32>
        %gt3A_187 = arith.cmpf ogt, %get3A_186, %scan3A_149 : vector<16xf32>
        %select_n3A_188 = arith.select %gt3A_187, %get3A_186, %scan3A_149 : vector<16xi1>, vector<16xf32>
        %broadcast_in_dim3A_189 = vector.broadcast %add3A_180 : i32 to vector<16xi32>
        %select_n3A_190 = arith.select %gt3A_187, %broadcast_in_dim3A_189, %scan3A_150 : vector<16xi1>, vector<16xi32>
        %add3A_191 = arith.constant 3 : i32
        %add3A_192 = arith.addi %mul3A_154, %add3A_191 : i32
        %mul3A_193 = arith.constant 16 : i32
        %mul3A_194 = arith.muli %add3A_192, %mul3A_193 : i32
        %add3A_195 = arith.addi %mul3A_41, %mul3A_194 : i32
        %get3A_196 = arith.index_cast %add3A_195 : i32 to index
        %get3A_197 = tpu.vector_load %arg4[%get3A_196] {strides = array<i32>} : memref<65536xf32, #tpu.memory_space<vmem>>, vector<16xf32>,
        %get3A_198 = vector.shape_cast %get3A_197 : vector<16xf32> to vector<16xf32>
        %gt3A_199 = arith.cmpf ogt, %get3A_198, %scan3A_151 : vector<16xf32>
        %select_n3A_200 = arith.select %gt3A_199, %get3A_198, %scan3A_151 : vector<16xi1>, vector<16xf32>
        %broadcast_in_dim3A_201 = vector.broadcast %add3A_192 : i32 to vector<16xi32>
        %select_n3A_202 = arith.select %gt3A_199, %broadcast_in_dim3A_201, %scan3A_152 : vector<16xi1>, vector<16xi32>
        %add3A_203 = arith.constant 4 : i32
        %add3A_204 = arith.addi %mul3A_154, %add3A_203 : i32
        %mul3A_205 = arith.constant 16 : i32
        %mul3A_206 = arith.muli %add3A_204, %mul3A_205 : i32
        %add3A_207 = arith.addi %mul3A_41, %mul3A_206 : i32
        %get3A_208 = arith.index_cast %add3A_207 : i32 to index
        %get3A_209 = tpu.vector_load %arg4[%get3A_208] {strides = array<i32>} : memref<65536xf32, #tpu.memory_space<vmem>>, vector<16xf32>,
        %get3A_210 = vector.shape_cast %get3A_209 : vector<16xf32> to vector<16xf32>
        %gt3A_211 = arith.cmpf ogt, %get3A_210, %select_n3A_164 : vector<16xf32>
        %select_n3A_212 = arith.select %gt3A_211, %get3A_210, %select_n3A_164 : vector<16xi1>, vector<16xf32>
        %broadcast_in_dim3A_213 = vector.broadcast %add3A_204 : i32 to vector<16xi32>
        %select_n3A_214 = arith.select %gt3A_211, %broadcast_in_dim3A_213, %select_n3A_166 : vector<16xi1>, vector<16xi32>
        %add3A_215 = arith.constant 5 : i32
        %add3A_216 = arith.addi %mul3A_154, %add3A_215 : i32
        %mul3A_217 = arith.constant 16 : i32
        %mul3A_218 = arith.muli %add3A_216, %mul3A_217 : i32
        %add3A_219 = arith.addi %mul3A_41, %mul3A_218 : i32
        %get3A_220 = arith.index_cast %add3A_219 : i32 to index
        %get3A_221 = tpu.vector_load %arg4[%get3A_220] {strides = array<i32>} : memref<65536xf32, #tpu.memory_space<vmem>>, vector<16xf32>,
        %get3A_222 = vector.shape_cast %get3A_221 : vector<16xf32> to vector<16xf32>
        %gt3A_223 = arith.cmpf ogt, %get3A_222, %select_n3A_176 : vector<16xf32>
        %select_n3A_224 = arith.select %gt3A_223, %get3A_222, %select_n3A_176 : vector<16xi1>, vector<16xf32>
        %broadcast_in_dim3A_225 = vector.broadcast %add3A_216 : i32 to vector<16xi32>
        %select_n3A_226 = arith.select %gt3A_223, %broadcast_in_dim3A_225, %select_n3A_178 : vector<16xi1>, vector<16xi32>
        %add3A_227 = arith.constant 6 : i32
        %add3A_228 = arith.addi %mul3A_154, %add3A_227 : i32
        %mul3A_229 = arith.constant 16 : i32
        %mul3A_230 = arith.muli %add3A_228, %mul3A_229 : i32
        %add3A_231 = arith.addi %mul3A_41, %mul3A_230 : i32
        %get3A_232 = arith.index_cast %add3A_231 : i32 to index
        %get3A_233 = tpu.vector_load %arg4[%get3A_232] {strides = array<i32>} : memref<65536xf32, #tpu.memory_space<vmem>>, vector<16xf32>,
        %get3A_234 = vector.shape_cast %get3A_233 : vector<16xf32> to vector<16xf32>
        %gt3A_235 = arith.cmpf ogt, %get3A_234, %select_n3A_188 : vector<16xf32>
        %select_n3A_236 = arith.select %gt3A_235, %get3A_234, %select_n3A_188 : vector<16xi1>, vector<16xf32>
        %broadcast_in_dim3A_237 = vector.broadcast %add3A_228 : i32 to vector<16xi32>
        %select_n3A_238 = arith.select %gt3A_235, %broadcast_in_dim3A_237, %select_n3A_190 : vector<16xi1>, vector<16xi32>
        %add3A_239 = arith.constant 7 : i32
        %add3A_240 = arith.addi %mul3A_154, %add3A_239 : i32
        %mul3A_241 = arith.constant 16 : i32
        %mul3A_242 = arith.muli %add3A_240, %mul3A_241 : i32
        %add3A_243 = arith.addi %mul3A_41, %mul3A_242 : i32
        %get3A_244 = arith.index_cast %add3A_243 : i32 to index
        %get3A_245 = tpu.vector_load %arg4[%get3A_244] {strides = array<i32>} : memref<65536xf32, #tpu.memory_space<vmem>>, vector<16xf32>,
        %get3A_246 = vector.shape_cast %get3A_245 : vector<16xf32> to vector<16xf32>
        %gt3A_247 = arith.cmpf ogt, %get3A_246, %select_n3A_200 : vector<16xf32>
        %select_n3A_248 = arith.select %gt3A_247, %get3A_246, %select_n3A_200 : vector<16xi1>, vector<16xf32>
        %broadcast_in_dim3A_249 = vector.broadcast %add3A_240 : i32 to vector<16xi32>
        %select_n3A_250 = arith.select %gt3A_247, %broadcast_in_dim3A_249, %select_n3A_202 : vector<16xi1>, vector<16xi32>
        scf.yield %select_n3A_212, %select_n3A_214, %select_n3A_224, %select_n3A_226, %select_n3A_236, %select_n3A_238, %select_n3A_248, %select_n3A_250 : vector<16xf32>, vector<16xi32>, vector<16xf32>, vector<16xi32>, vector<16xf32>, vector<16xi32>, vector<16xf32>, vector<16xi32>
      }
      %scan3A_47 = arith.constant 256 : i32
      %gt3A = arith.cmpf ogt, %scan3A_46#2, %scan3A_46#0 : vector<16xf32>
      %eq3A = arith.cmpf oeq, %scan3A_46#2, %scan3A_46#0 : vector<16xf32>
      %lt3A_48 = arith.cmpi slt, %scan3A_46#3, %scan3A_46#1 : vector<16xi32>
      %and3A = arith.andi %eq3A, %lt3A_48 : vector<16xi1>
      %or3A = arith.ori %gt3A, %and3A : vector<16xi1>
      %select_n3A = arith.select %or3A, %scan3A_46#2, %scan3A_46#0 : vector<16xi1>, vector<16xf32>
      %select_n3A_49 = arith.select %or3A, %scan3A_46#3, %scan3A_46#1 : vector<16xi1>, vector<16xi32>
      %gt3A_50 = arith.cmpf ogt, %scan3A_46#6, %scan3A_46#4 : vector<16xf32>
      %eq3A_51 = arith.cmpf oeq, %scan3A_46#6, %scan3A_46#4 : vector<16xf32>
      %lt3A_52 = arith.cmpi slt, %scan3A_46#7, %scan3A_46#5 : vector<16xi32>
      %and3A_53 = arith.andi %eq3A_51, %lt3A_52 : vector<16xi1>
      %or3A_54 = arith.ori %gt3A_50, %and3A_53 : vector<16xi1>
      %select_n3A_55 = arith.select %or3A_54, %scan3A_46#6, %scan3A_46#4 : vector<16xi1>, vector<16xf32>
      %select_n3A_56 = arith.select %or3A_54, %scan3A_46#7, %scan3A_46#5 : vector<16xi1>, vector<16xi32>
      %gt3A_57 = arith.cmpf ogt, %select_n3A_55, %select_n3A : vector<16xf32>
      %eq3A_58 = arith.cmpf oeq, %select_n3A_55, %select_n3A : vector<16xf32>
      %lt3A_59 = arith.cmpi slt, %select_n3A_56, %select_n3A_49 : vector<16xi32>
      %and3A_60 = arith.andi %eq3A_58, %lt3A_59 : vector<16xi1>
      %or3A_61 = arith.ori %gt3A_57, %and3A_60 : vector<16xi1>
      %select_n3A_62 = arith.select %or3A_61, %select_n3A_55, %select_n3A : vector<16xi1>, vector<16xf32>
      %select_n3A_63 = arith.select %or3A_61, %select_n3A_56, %select_n3A_49 : vector<16xi1>, vector<16xi32>
      %mul3A_64 = arith.constant 16 : i32
      %mul3A_65 = vector.broadcast %mul3A_64 : i32 to vector<16xi32>
      %mul3A_66 = arith.muli %select_n3A_63, %mul3A_65 : vector<16xi32>
      %add3A_67 = arith.addi %mul3A_66, %iota3A : vector<16xi32>
      %xor3A = arith.constant 1 : i32
      %xor3A_68 = vector.broadcast %xor3A : i32 to vector<16xi32>
      %xor3A_69 = arith.xori %iota3A, %xor3A_68 : vector<16xi32>
      %broadcast_in_dim3A_70 = vector.shape_cast %xor3A_69 : vector<16xi32> to vector<16x1xi32>
      %gather3A = vector.shape_cast %broadcast_in_dim3A_70 : vector<16x1xi32> to vector<16xi32>
      %gather3A_71 = tpu.dynamic_gather %select_n3A_62[%gather3A] in [0] : vector<16xf32>, vector<16xi32> -> vector<16xf32>
      %broadcast_in_dim3A_72 = vector.shape_cast %xor3A_69 : vector<16xi32> to vector<16x1xi32>
      %gather3A_73 = vector.shape_cast %broadcast_in_dim3A_72 : vector<16x1xi32> to vector<16xi32>
      %gather3A_74 = tpu.dynamic_gather %add3A_67[%gather3A_73] in [0] : vector<16xi32>, vector<16xi32> -> vector<16xi32>
      %gt3A_75 = arith.cmpf ogt, %gather3A_71, %select_n3A_62 : vector<16xf32>
      %eq3A_76 = arith.cmpf oeq, %gather3A_71, %select_n3A_62 : vector<16xf32>
      %lt3A_77 = arith.cmpi slt, %gather3A_74, %add3A_67 : vector<16xi32>
      %and3A_78 = arith.andi %eq3A_76, %lt3A_77 : vector<16xi1>
      %or3A_79 = arith.ori %gt3A_75, %and3A_78 : vector<16xi1>
      %select_n3A_80 = arith.select %or3A_79, %gather3A_71, %select_n3A_62 : vector<16xi1>, vector<16xf32>
      %select_n3A_81 = arith.select %or3A_79, %gather3A_74, %add3A_67 : vector<16xi1>, vector<16xi32>
      %xor3A_82 = arith.constant 2 : i32
      %xor3A_83 = vector.broadcast %xor3A_82 : i32 to vector<16xi32>
      %xor3A_84 = arith.xori %iota3A, %xor3A_83 : vector<16xi32>
      %broadcast_in_dim3A_85 = vector.shape_cast %xor3A_84 : vector<16xi32> to vector<16x1xi32>
      %gather3A_86 = vector.shape_cast %broadcast_in_dim3A_85 : vector<16x1xi32> to vector<16xi32>
      %gather3A_87 = tpu.dynamic_gather %select_n3A_80[%gather3A_86] in [0] : vector<16xf32>, vector<16xi32> -> vector<16xf32>
      %broadcast_in_dim3A_88 = vector.shape_cast %xor3A_84 : vector<16xi32> to vector<16x1xi32>
      %gather3A_89 = vector.shape_cast %broadcast_in_dim3A_88 : vector<16x1xi32> to vector<16xi32>
      %gather3A_90 = tpu.dynamic_gather %select_n3A_81[%gather3A_89] in [0] : vector<16xi32>, vector<16xi32> -> vector<16xi32>
      %gt3A_91 = arith.cmpf ogt, %gather3A_87, %select_n3A_80 : vector<16xf32>
      %eq3A_92 = arith.cmpf oeq, %gather3A_87, %select_n3A_80 : vector<16xf32>
      %lt3A_93 = arith.cmpi slt, %gather3A_90, %select_n3A_81 : vector<16xi32>
      %and3A_94 = arith.andi %eq3A_92, %lt3A_93 : vector<16xi1>
      %or3A_95 = arith.ori %gt3A_91, %and3A_94 : vector<16xi1>
      %select_n3A_96 = arith.select %or3A_95, %gather3A_87, %select_n3A_80 : vector<16xi1>, vector<16xf32>
      %select_n3A_97 = arith.select %or3A_95, %gather3A_90, %select_n3A_81 : vector<16xi1>, vector<16xi32>
      %xor3A_98 = arith.constant 4 : i32
      %xor3A_99 = vector.broadcast %xor3A_98 : i32 to vector<16xi32>
      %xor3A_100 = arith.xori %iota3A, %xor3A_99 : vector<16xi32>
      %broadcast_in_dim3A_101 = vector.shape_cast %xor3A_100 : vector<16xi32> to vector<16x1xi32>
      %gather3A_102 = vector.shape_cast %broadcast_in_dim3A_101 : vector<16x1xi32> to vector<16xi32>
      %gather3A_103 = tpu.dynamic_gather %select_n3A_96[%gather3A_102] in [0] : vector<16xf32>, vector<16xi32> -> vector<16xf32>
      %broadcast_in_dim3A_104 = vector.shape_cast %xor3A_100 : vector<16xi32> to vector<16x1xi32>
      %gather3A_105 = vector.shape_cast %broadcast_in_dim3A_104 : vector<16x1xi32> to vector<16xi32>
      %gather3A_106 = tpu.dynamic_gather %select_n3A_97[%gather3A_105] in [0] : vector<16xi32>, vector<16xi32> -> vector<16xi32>
      %gt3A_107 = arith.cmpf ogt, %gather3A_103, %select_n3A_96 : vector<16xf32>
      %eq3A_108 = arith.cmpf oeq, %gather3A_103, %select_n3A_96 : vector<16xf32>
      %lt3A_109 = arith.cmpi slt, %gather3A_106, %select_n3A_97 : vector<16xi32>
      %and3A_110 = arith.andi %eq3A_108, %lt3A_109 : vector<16xi1>
      %or3A_111 = arith.ori %gt3A_107, %and3A_110 : vector<16xi1>
      %select_n3A_112 = arith.select %or3A_111, %gather3A_103, %select_n3A_96 : vector<16xi1>, vector<16xf32>
      %select_n3A_113 = arith.select %or3A_111, %gather3A_106, %select_n3A_97 : vector<16xi1>, vector<16xi32>
      %xor3A_114 = arith.constant 8 : i32
      %xor3A_115 = vector.broadcast %xor3A_114 : i32 to vector<16xi32>
      %xor3A_116 = arith.xori %iota3A, %xor3A_115 : vector<16xi32>
      %broadcast_in_dim3A_117 = vector.shape_cast %xor3A_116 : vector<16xi32> to vector<16x1xi32>
      %gather3A_118 = vector.shape_cast %broadcast_in_dim3A_117 : vector<16x1xi32> to vector<16xi32>
      %gather3A_119 = tpu.dynamic_gather %select_n3A_112[%gather3A_118] in [0] : vector<16xf32>, vector<16xi32> -> vector<16xf32>
      %broadcast_in_dim3A_120 = vector.shape_cast %xor3A_116 : vector<16xi32> to vector<16x1xi32>
      %gather3A_121 = vector.shape_cast %broadcast_in_dim3A_120 : vector<16x1xi32> to vector<16xi32>
      %gather3A_122 = tpu.dynamic_gather %select_n3A_113[%gather3A_121] in [0] : vector<16xi32>, vector<16xi32> -> vector<16xi32>
      %gt3A_123 = arith.cmpf ogt, %gather3A_119, %select_n3A_112 : vector<16xf32>
      %eq3A_124 = arith.cmpf oeq, %gather3A_119, %select_n3A_112 : vector<16xf32>
      %lt3A_125 = arith.cmpi slt, %gather3A_122, %select_n3A_113 : vector<16xi32>
      %and3A_126 = arith.andi %eq3A_124, %lt3A_125 : vector<16xi1>
      %or3A_127 = arith.ori %gt3A_123, %and3A_126 : vector<16xi1>
      %select_n3A_128 = arith.select %or3A_127, %gather3A_119, %select_n3A_112 : vector<16xi1>, vector<16xf32>
      %select_n3A_129 = arith.select %or3A_127, %gather3A_122, %select_n3A_113 : vector<16xi1>, vector<16xi32>
      %div3A = arith.constant 16 : i32
      %div3A_130 = arith.divsi %scan3A_23, %div3A : i32
      %mul3A_131 = arith.constant 16 : i32
      %mul3A_132 = arith.muli %div3A_130, %mul3A_131 : i32
      %rem3A_133 = arith.constant 16 : i32
      %rem3A_134 = arith.remsi %scan3A_23, %rem3A_133 : i32
      %get3A = arith.index_cast %mul3A_132 : i32 to index
      %get3A_135 = tpu.vector_load %arg5[%get3A] {strides = array<i32>} : memref<32xi32, #tpu.memory_space<vmem>>, vector<16xi32>,
      %get3A_136 = vector.shape_cast %get3A_135 : vector<16xi32> to vector<16xi32>
      %eq3A_137 = vector.broadcast %rem3A_134 : i32 to vector<16xi32>
      %eq3A_138 = arith.cmpi eq, %iota3A, %eq3A_137 : vector<16xi32>
      %select_n3A_139 = arith.select %eq3A_138, %select_n3A_129, %get3A_136 : vector<16xi1>, vector<16xi32>
      %swap3A = arith.index_cast %mul3A_132 : i32 to index
      %swap3A_140 = tpu.vector_load %arg5[%swap3A] {strides = array<i32>} : memref<32xi32, #tpu.memory_space<vmem>>, vector<16xi32>,
      %swap3A_141 = vector.shape_cast %swap3A_140 : vector<16xi32> to vector<16xi32>
      %swap3A_142 = vector.shape_cast %select_n3A_139 : vector<16xi32> to vector<16xi32>
      tpu.vector_store %arg5[%swap3A], %swap3A_142 {strides = array<i32>} : memref<32xi32, #tpu.memory_space<vmem>>, vector<16xi32>,
      %scan3A_143 = arith.constant 0 : i32
      scf.yield %scan3A_143 : i32
    }
    %scan3A_20 = arith.constant 28 : i32
    %mul3A_21 = arith.constant 32 : i32
    %mul3A_22 = arith.muli %add3A, %mul3A_21 : i32
    "tpu.region"() ({
      %run_scoped3A = tpu.sem_alloc : memref<!tpu.dma_semaphore, #tpu.memory_space<semaphore_mem>>
      %dma_start3A_23 = tpu.memref_slice %arg3[%mul3A_22] : memref<1024xi32, #tpu.memory_space<hbm>> -> memref<32xi32, #tpu.memory_space<hbm>>
      %dma_start3A_24 = tpu.memref_slice %arg3[%mul3A_22] : memref<1024xi32, #tpu.memory_space<hbm>> -> memref<32xi32, #tpu.memory_space<hbm>>
      tpu.enqueue_dma source(%arg5 : memref<32xi32, #tpu.memory_space<vmem>>) target(%dma_start3A_24 : memref<32xi32, #tpu.memory_space<hbm>>) target_semaphore(%run_scoped3A : memref<!tpu.dma_semaphore, #tpu.memory_space<semaphore_mem>>)
      %dma_wait3A = tpu.memref_slice %arg3[%mul3A_22] : memref<1024xi32, #tpu.memory_space<hbm>> -> memref<32xi32, #tpu.memory_space<hbm>>
      %dma_wait3A_25 = tpu.memref_slice %arg3[%mul3A_22] : memref<1024xi32, #tpu.memory_space<hbm>> -> memref<32xi32, #tpu.memory_space<hbm>>
      tpu.wait_dma2 semaphore(%run_scoped3A : memref<!tpu.dma_semaphore, #tpu.memory_space<semaphore_mem>>) src(%arg5 : memref<32xi32, #tpu.memory_space<vmem>>) dst(%dma_wait3A_25 : memref<32xi32, #tpu.memory_space<hbm>>)
      tpu.yield
    }) : () -> ()
    return
  }
}

module attributes {stable_mosaic.version = 14 : i64} {
  func.func @_argmax_tc_body(%arg0: i32, %arg1: memref<64x32768xf32, #tpu.memory_space<vmem>>, %arg2: memref<1x1x64xi32, #tpu.memory_space<vmem>>) attributes {dimension_semantics = [#tpu.dimension_semantics<arbitrary>], iteration_bounds = array<i64: 18>, scalar_prefetch = 0 : i64, scratch_operands = 0 : i64, tpu.core_type = #tpu.core_type<tc>, window_params = [{transform_indices = @transform_0, window_bounds = array<i64: 64, 32768>}, {transform_indices = @transform_1, window_bounds = array<i64: 1, 1, 64>}]} {
    %get3A = arith.constant 0 : index
    %get3A_0 = arith.constant 0 : index
    %get3A_1 = vector.load %arg1[%get3A, %get3A_0] : memref<64x32768xf32, #tpu.memory_space<vmem>>, vector<64x32768xf32>
    %reduce_max3A = arith.constant dense<0xFF800000> : vector<64xf32>
    %reduce_max3A_2 = vector.multi_reduction <maximumf>, %get3A_1, %reduce_max3A [1] : vector<64x32768xf32> to vector<64xf32>
    %iota3A = tpu.iota {dimensions = array<i32: 1>} : vector<64x32768xi32>
    %broadcast_in_dim3A = vector.shape_cast %reduce_max3A_2 : vector<64xf32> to vector<64x1xf32>
    %eq3A = vector.broadcast %broadcast_in_dim3A : vector<64x1xf32> to vector<64x32768xf32>
    %eq3A_3 = arith.cmpf oeq, %get3A_1, %eq3A : vector<64x32768xf32>
    %jit3A = arith.constant 2147483647 : i32
    %broadcast_in_dim3A_4 = vector.broadcast %jit3A : i32 to vector<64x32768xi32>
    %select_n3A = arith.select %eq3A_3, %iota3A, %broadcast_in_dim3A_4 : vector<64x32768xi1>, vector<64x32768xi32>
    %reduce_min3A = arith.constant dense<2147483647> : vector<64xi32>
    %reduce_min3A_5 = vector.multi_reduction <minsi>, %select_n3A, %reduce_min3A [1] : vector<64x32768xi32> to vector<64xi32>
    %broadcast_in_dim3A_6 = vector.shape_cast %reduce_min3A_5 : vector<64xi32> to vector<1x1x64xi32>
    %swap3A = arith.constant 0 : index
    %swap3A_7 = arith.constant 0 : index
    %swap3A_8 = arith.constant 0 : index
    %swap3A_9 = vector.load %arg2[%swap3A, %swap3A_7, %swap3A_8] : memref<1x1x64xi32, #tpu.memory_space<vmem>>, vector<1x1x64xi32>
    tpu.vector_store %arg2[%swap3A, %swap3A_7, %swap3A_8], %broadcast_in_dim3A_6 {strides = array<i32>} : memref<1x1x64xi32, #tpu.memory_space<vmem>>, vector<1x1x64xi32>,
    return
  }
  func.func @transform_0(%arg0: i32) -> (i32, i32) {
    %add3A = arith.constant 14 : i32
    %add3A_0 = arith.addi %arg0, %add3A : i32
    %c0_i32 = arith.constant 0 : i32
    %c0_i32_1 = arith.constant 0 : i32
    return %add3A_0, %c0_i32 : i32, i32
  }
  func.func @transform_1(%arg0: i32) -> (i32, i32, i32) {
    %c0_i32 = arith.constant 0 : i32
    %c0_i32_0 = arith.constant 0 : i32
    %c0_i32_1 = arith.constant 0 : i32
    return %arg0, %c0_i32, %c0_i32_0 : i32, i32, i32
  }
}

</mosaic_0001>

<sc_bundles>
// kernel: kernel.4.cloned.1.call-start
scs
__scs_entry_jumppad:
0x0: {  	(pc) =	sbr.rel $0x88, $3  }
0x1: {  	(tag) =	ssettag $0x0;
	lr =	simm.s32 $0x1  }
0x2: {  	[smem:$0x3FA0] =	sst lr;
	_ =	strace $0xD0000000  }
0x3: {  	_ = 	snop  }
0x4: {  	_ = 	snop  }
0x5: {  	_ = 	snop  }
0x6: {  	_ = 	snop  }
0x7: {  	_ = 	snop  }
__scs_overlays_trampoline_lowered:
0x8: {  	[smem:$0x3FAF] =	sst s0  }
0x9: {  	[smem:$0x3FB0] =	sst s1  }
0xa: {  	[smem:$0x3FB1] =	sst s2  }
0xb: {  	[smem:$0x3FB2] =	sst s3  }
0xc: {  	[smem:$0x3FB3] =	sst s4  }
0xd: {  	[smem:$0x3FB4] =	sst s5  }
0xe: {  	[smem:$0x3FB5] =	sst s6  }
0xf: {  	[smem:$0x3FB6] =	sst s7  }
0x10: {  	[smem:$0x3FB7] =	sst s8  }
0x11: {  	[smem:$0x3FB8] =	sst s9;
	s0 =	simm.s32 @!p0 $0x0  }
0x12: {  	s1 =	sld [smem:$0x3F9E];
	s0 =	simm.s32 @p0 $0x1  }
0x13: {  	[smem:$0x3FB9] =	sst s0;
	s0 =	simm.s32 @!p1 $0x0  }
0x14: {  	s2 =	sld [smem:$0x3F9D];
	s0 =	simm.s32 @p1 $0x1  }
0x15: {  	[smem:$0x3FBA] =	sst s0;
	s0 =	simm.s32 @!p2 $0x0  }
0x16: {  	s3 =	sld [smem:$0x3FDB];
	s0 =	simm.s32 @p2 $0x1  }
0x17: {  	s4 =	simm.s32 $0x1BF5;
	[smem:$0x3FBC] =	sst s0  }
0x18: {  	s0 =	sld [smem:$0x3F9F];
	_ =	swait.ge [sflag:s4], $0x0  }
0x19: {  	s7 =	sld [smem:$0x3FA0]  }
0x1a: {  	s8 =	sadd.s32 $0xFFFFE003, lr  }
0x1b: {  	s9 =	sadd.s32 $0xFFFFFEF7, lr;
	s5 =	simm.s32 $0xFFFFFFFF;
	p2 =	slt.u32 s8, $0xFFFFF086  }
0x1c: {  	p1 =	slt.u32 s9, $0xF7A;
	s5 =	simm.s32 @!p2 $0x0  }
0x1d: {  	s5 =	simm.s32 @p1 $0x1;
	p0 =	seq.s32 s7, s2  }
0x1e: {  	s7 =	smul.u32 @!p0 $0xF7A, s2;
	p2 =	seq.s32 @!p0 s5, $0x0  }
0x1f: {  	s9 =	smul.u32 $0xF7A, s1;
	s8 =	simm.s32 @!p0 $0x1BF5;
	p2 =	por !p2, p0  }
0x20: {  	[sflag:s8] =	ssyncset.s32 @!p0 $0xFFFFF086;
	s6 =	sadd.s32 @!p0 s3, s7;
	s7 =	simm.s32 @!p0 $0x108  }
0x21: {  	s3 =	sadd.s32 s3, s9;
	s6 =	sadd.s32 @!p0 $0x88, s6;
	s7 =	simm.s32 @p2 $0x1082  }
0x22: {  	[simem:s7], [sflag:s8] =	dma.local @!p0 [hbm:s6], $0xF7A  }
0x23: {  	s9 =	sor.u32 $0xD0000000, s2;
	s6 =	simm.s32 $0x108;
	_ =	swait.ge @!p0 [sflag:s8], $0x0  }
0x24: {  	s3 =	sadd.s32 $0x88, s3;
	s6 =	simm.s32 @!p1 $0x1082;
	[sflag:s4] =	ssyncset.s32 $0xFFFFF086  }
0x25: {  	[simem:s6], [sflag:s4] =	dma.local [hbm:s3], $0xF7A  }
0x26: {  	[smem:$0x3FA0] =	sst s1;
	(tag) =	ssettag s2;
	_ =	strace s9  }
0x27: {  	s1 =	sld [smem:$0x3FB0]  }
0x28: {  	s2 =	sld [smem:$0x3FB1]  }
0x29: {  	s4 =	sld [smem:$0x3FB3]  }
0x2a: {  	p0 =	seq.s32 s5, $0x0;
	s5 =	sld [smem:$0x3FB4]  }
0x2b: {  	s6 =	sld [smem:$0x3FB5]  }
0x2c: {  	s7 =	sld [smem:$0x3FB6]  }
0x2d: {  	s3 =	simm.s32 $0x108;
	s8 =	sld [smem:$0x3FB7]  }
0x2e: {  	s3 =	simm.s32 @!p0 $0x1082;
	s9 =	sld [smem:$0x3FB8]  }
0x2f: {  	lr =	sadd.s32 s0, s3;
	s0 =	sld [smem:$0x3FAF]  }
0x30: {  	s3 =	sld [smem:$0x3FB2]  }
0x31: {  	[smem:$0x3FBB] =	sst s10  }
0x32: {  	s10 =	sld [smem:$0x3FB9];
	_ =	sdelay $0x3  }
0x33: {  	p0 =	seq.s32 s10, $0x1;
	s10 =	sld [smem:$0x3FBB];
	_ =	sdelay $0x3  }
0x34: {  	[smem:$0x3FBB] =	sst s10  }
0x35: {  	s10 =	sld [smem:$0x3FBA];
	_ =	sdelay $0x3  }
0x36: {  	p1 =	seq.s32 s10, $0x1;
	s10 =	sld [smem:$0x3FBB];
	_ =	sdelay $0x3  }
0x37: {  	[smem:$0x3FBB] =	sst s10  }
0x38: {  	s10 =	sld [smem:$0x3FBC]  }
0x39: {  	_ = 	snop;
	(pc) =	sbr.ind lr, $3  }
0x3a: {  	_ = 	snop  }
0x3b: {  	_ = 	snop  }
0x3c: {  	p2 =	seq.s32 s10, $0x1;
	s10 =	sld [smem:$0x3FBB]  }
0x3d: {  	_ =	shalt  }
0x3e: {  	_ =	shalt  }
0x3f: {  	_ =	shalt  }
0x40: {  	_ =	shalt  }
0x41: {  	_ =	shalt  }
0x42: {  	_ =	shalt  }
0x43: {  	_ =	shalt  }
0x44: {  	_ =	shalt  }
0x45: {  	_ =	shalt  }
0x46: {  	_ =	shalt  }
0x47: {  	_ =	shalt  }
0x48: {  	_ =	shalt  }
0x49: {  	_ =	shalt  }
0x4a: {  	_ =	shalt  }
0x4b: {  	_ =	shalt  }
0x4c: {  	_ =	shalt  }
0x4d: {  	_ =	shalt  }
0x4e: {  	_ =	shalt  }
0x4f: {  	_ =	shalt  }
0x50: {  	_ =	shalt  }
0x51: {  	_ =	shalt  }
0x52: {  	_ =	shalt  }
0x53: {  	_ =	shalt  }
0x54: {  	_ =	shalt  }
0x55: {  	_ =	shalt  }
0x56: {  	_ =	shalt  }
0x57: {  	_ =	shalt  }
0x58: {  	_ =	shalt  }
0x59: {  	_ =	shalt  }
0x5a: {  	_ =	shalt  }
0x5b: {  	_ =	shalt  }
0x5c: {  	_ =	shalt  }
0x5d: {  	_ =	shalt  }
0x5e: {  	_ =	shalt  }
0x5f: {  	_ =	shalt  }
0x60: {  	_ =	shalt  }
0x61: {  	_ =	shalt  }
0x62: {  	_ =	shalt  }
0x63: {  	_ =	shalt  }
0x64: {  	_ =	shalt  }
0x65: {  	_ =	shalt  }
0x66: {  	_ =	shalt  }
0x67: {  	_ =	shalt  }
0x68: {  	_ =	shalt  }
0x69: {  	_ =	shalt  }
0x6a: {  	_ =	shalt  }
0x6b: {  	_ =	shalt  }
0x6c: {  	_ =	shalt  }
0x6d: {  	_ =	shalt  }
0x6e: {  	_ =	shalt  }
0x6f: {  	_ =	shalt  }
0x70: {  	_ =	shalt  }
0x71: {  	_ =	shalt  }
0x72: {  	_ =	shalt  }
0x73: {  	_ =	shalt  }
0x74: {  	_ =	shalt  }
0x75: {  	_ =	shalt  }
0x76: {  	_ =	shalt  }
0x77: {  	_ =	shalt  }
0x78: {  	_ =	shalt  }
0x79: {  	_ =	shalt  }
0x7a: {  	_ =	shalt  }
0x7b: {  	_ =	shalt  }
0x7c: {  	_ =	shalt  }
0x7d: {  	_ =	shalt  }
0x7e: {  	_ =	shalt  }
0x7f: {  	_ =	shalt  }
0x80: {  	_ =	shalt  }
0x81: {  	_ =	shalt  }
0x82: {  	_ =	shalt  }
0x83: {  	_ =	shalt  }
0x84: {  	_ =	shalt  }
0x85: {  	_ =	shalt  }
0x86: {  	_ =	shalt  }
0x87: {  	_ =	shalt  }
.Lfunc_end0:
.L_simem_size_0:
called_computation_lowered:
.L_overlay_start_0:
0x88: {  	s2 =	sld [smem:$0x3FD9]  }
0x89: {  	s3 =	sld [smem:$0x3FFE];
	_ =	sdelay $0x1  }
0x8a: {  	s1 =	srdreg.scid  }
0x8b: {  	s0 =	sand.u32 $0x1, s1  }
0x8c: {  	s18 =	sshll.u32 s0, $0xA;
	s2 =	sadd.s32 s3, s2  }
0x8d: {  	s2 =	sadd.s32 s2, s18  }
0x8e: {  	[smem:$0x3FC7] =	sst s2  }
0x8f: {  	_ = 	snop  }
0x90: {  	s2 =	sld [smem:$0x3FC9]  }
0x91: {  	s19 =	sld [smem:$0x3FD0];
	(tm) =	ssettm $0x1  }
0x92: {  	s4 =	sld [smem:$0x3FFB];
	_ =	sdelay $0x3  }
0x93: {  	_ =	strace s4  }
0x94: {  	s4 =	sld [smem:$0x3FFC];
	_ =	sdelay $0x3  }
0x95: {  	_ =	strace s4  }
0x96: {  	s4 =	sld [smem:$0x3FFD];
	_ =	sdelay $0x3  }
0x97: {  	_ =	strace s4  }
0x98: {  	_ =	strace $0x8FFFFFFF  }
0x99: {  	s20 =	sld [smem:$0x3FDB];
	_ =	sdelay $0x1  }
0x9a: {  	s5 =	simm.s32 $_scs_section_size  }
0x9b: {  	s6 =	simm.s32 $_size__tile_overlayer_lowered;
	s7 =	simm.s32 $_tile_overlayer_lowered  }
0x9c: {  	s23 =	simm.s32 $0x1BFF;
	s22 =	sshll.u32 s7, $0x1;
	s4 =	sadd.s32 s5, s20  }
0x9d: {  	s8 =	simm.s32 $0x0;
	s21 =	sshll.u32 s6, $0x1;
	s6 =	sadd.s32 s22, s4  }
0x9e: {  	[timem:s8], [sflag:s23] =	dma.local [hbm:s6], s21  }
0x9f: {  	_ =	swait.ge [sflag:s23], s21  }
0xa0: {  	s5 =	ssub.s32 $0x0, s21;
	[sflag:s23] =	ssyncset.done $0x0  }
0xa1: {  	[sflag:s23] =	ssyncadd.s32 s5;
	_ =	sdelay $0x1  }
0xa2: {  	s24 =	simm.s32 $0x1B8B  }
0xa3: {  	_ =	swait.ge [sflag:s24], $0x1  }
0xa4: {  	[sflag:s24] =	ssyncset.done $0x0  }
0xa5: {  	s25 =	simm.s32 $0x1B8E;
	[sflag:s24] =	ssyncadd.s32 $0xFFFFFFFF  }
0xa6: {  	s26 =	simm.s32 $execute0_lowered;
	[smem:$0x3FD2] =	sst s25  }
0xa7: {  	s5 =	sshll.u32 s26, $0x1;
	_ =	strace $0x80000046;
	[dreg:$0x1] =	wrdreg $0xFFFFFFFF  }
0xa8: {  	s28 =	simm.s32 $_size_execute0_lowered;
	s4 =	sadd.s32 s4, s5;
	[dreg:$0x0] =	wrdreg $0x0  }
0xa9: {  	s5 =	sshll.u32 s28, $0x1;
	[dreg:$0x2] =	wrdreg s4  }
0xaa: {  	[dreg:$0x3] =	wrdreg s5  }
0xab: {  	[dreg:$0x4] =	wrdreg $0xC0  }
0xac: {  	_ =	task [dreg:s8], $0x5FFFF  }
0xad: {  	[dreg:$0x1] =	wrdreg $0xFFFFFFFF  }
0xae: {  	[dreg:$0x0] =	wrdreg $0x60  }
0xaf: {  	[dreg:$0x2] =	wrdreg s2  }
0xb0: {  	[dreg:$0x3] =	wrdreg s19  }
0xb1: {  	[dreg:$0x4] =	wrdreg $0x9  }
0xb2: {  	_ =	task.clear_ibuf [dreg:s8], $0x5FFFF;
	_ =	strace $0x90000046  }
0xb3: {  	s29 =	simm.s32 $0x9;
	_ =	strace $0x80000048  }
0xb4: {  	_ =	swait.ge [sflag:s29], $0x1  }
0xb5: {  	[sflag:s29] =	ssyncadd.s32 $0xFFFFFFFF  }
0xb6: {  	_ =	strace $0x90000048  }
0xb7: {  	_ =	sfence  }
0xb8: {  	s30 =	sld [smem:$0x0];
	_ =	sdelay $0x2  }
0xb9: {  	s31 =	sshll.u32 s1, $0xD;
	s1 =	sshrl.u32 s1, $0x2  }
0xba: {  	s3 =	sand.u32 $0x4000, s31;
	s1 =	sadd.s32 s1, s30  }
0xbb: {  	s0 =	sor.u32 s3, s0;
	s1 =	sshll.u32 s1, $0x11  }
0xbc: {  	s0 =	sor.u32 s1, s0  }
0xbd: {  	s0 =	sadd.s32 $0x8F2B, s0  }
0xbe: {  	[sflag:s0] =	ssyncadd.remote.s32 $0x1  }
0xbf: {  	_ =	sfence.sel $0xFFFF  }
0xc0: {  	[dreg:$0x0] =	wrdreg $0xFFFFFFFF;
	(pc) =	sbr.abs _section_cstart, $3  }
0xc1: {  	[dreg:$0x1] =	wrdreg $0xFFFFFFFF  }
0xc2: {  	_ =	task.clear_ibuf [dreg:s8], $0x2FFFF;
	_ =	strace $0x9FFFFFFF  }
0xc3: {  	(tm) =	ssettm $0x7FFFFFFF  }
tec
execute0_lowered:
.L_overlay_start_1:
0x0: {  	(tag) =	ssettag $0x1  }
0x1: {  	v0 =	vimm.s32 $0xEFCDAB89  }
0x2: {  	s1 =	srdreg.scid;
	v1 =	vimm.s32 $0x67452301;
	v2 =	vimm.s32 $0xDCFE98BA;
	v3 =	vimm.s32 $0x54761032  }
0x3: {  	s0 =	stileid.u32;
	s6 =	rddreg [dreg:$0x1];
	s3 =	simm.s32 $0x0;
	v4 =	vimm.s32 $0xBA98FEDC;
	v5 =	vimm.s32 $0x32107654;
	v6 =	vimm.s32 $0xFEDCBA98  }
0x4: {  	v7 =	vimm.s32 $0x76543210;
	s10 =	simm.s32 $0x1;
	s11 =	simm.s32 $0x10000;
	s12 =	simm.s32 $0x2;
	v0 =	vunpack.c.l.s4.s8 v0;
	v1 =	vunpack.c.l.s4.s8 v1  }
0x5: {  	s4 =	sand.u32 $0x1, s1;
	s2 =	sshll.u32 s0, $0x1;
	v2 =	vunpack.c.l.s4.s8 v2;
	s1 =	rddreg [dreg:$0x0];
	v3 =	vunpack.c.l.s4.s8 v3;
	v4 =	vunpack.c.l.s4.s8 v4  }
0x6: {  	s13 =	simm.s32 $0x0;
	[smem:$0x7FF] =	sst s3;
	v5 =	vunpack.c.l.s4.s8 v5;
	v6 =	vunpack.c.l.s4.s8 v6;
	v7 =	vunpack.c.l.s4.s8 v7;
	s5 =	sor.u32 s4, s2  }
0x7: {  	s2 =	rddreg [dreg:$0x2];
	s8 =	sshll.u32 s4, $0x9;
	v0 =	vunpack.c.0.s8.s32 v0;
	s7 =	smul.u32 $0xE0000, s5;
	v1 =	vunpack.c.0.s8.s32 v1;
	v2 =	vunpack.c.0.s8.s32 v2  }
0x8: {  	_ =	strace $0x80000047;
	s4 =	ssub.s32 $0x2, s4;
	v3 =	vunpack.c.0.s8.s32 v3;
	s9 =	smul.u32 $0x1C, s5;
	v4 =	vunpack.c.0.s8.s32 v4;
	v5 =	vunpack.c.0.s8.s32 v5  }
0x9: {  	s30 =	sshrl.u32 s4, $0x1;
	s31 =	sshll.u32 s5, $0x2;
	v6 =	vunpack.c.0.s8.s32 v6;
	s7 =	sand.u32 $0x1FC0000, s7;
	v1 =	vcombine.low v1, v0  }
0xa: {  	s6 =	sadd.s32 s6, s31;
	v2 =	vcombine.low v3, v2;
	s5 =	sor.u32 $0x1, s9;
	v3 =	vcombine.low v5, v4;
	v4 =	vunpack.c.0.s8.s32 v7;
	s7 =	sor.u32 s8, s7  }
0xb: {  	s9 =	simm.s32 $0x400;
	v0 =	vlaneseq.u32;
	v5 =	vand.u32 $0xF, v6;
	s8 =	ssub.s32 s4, s30;
	s7 =	sshrl.u32 s7, $0x3;
	v1 =	vand.u32 $0xF, v1  }
0xc: {  	v2 =	vand.u32 $0xF, v2;
	v3 =	vand.u32 $0xF, v3;
	v4 =	vcombine.low v5, v4;
	s4 =	sadd.s32 s1, s7;
	s7 =	smax.u32 s8, $0x1;
	s8 =	simm.s32 $0x80  }
.LBB2_1:
0xd: {  	[tilespmem:s3], [sflag:$0x1] =	stream.strided.gather [hbm4b:s4+s8], $0x8000, s9, s8, $0x38;
	[tilespmem:$0x10080] =	vst v63  }
0xe: {  	p0 =	por $0x0, $0x0;
	s14 =	simm.s32 $0x0  }
.LBB2_2:
0xf: {  	s15 =	simm.s32 $0x1;
	_ =	swait.ge [sflag:s10], $0x8000  }
0x10: {  	p1 =	seq.s32 s14, $0x1B;
	s15 =	simm.s32 @!p0 $0x0;
	[sflag:s10] =	ssyncset.done $0x0  }
0x11: {  	s17 =	sadd.s32 @!p1 s14, s5;
	s20 =	simm.s32 @!p1 $0x400;
	s15 =	sshll.u32 s15, $0xF  }
0x12: {  	[sflag:s10] =	ssyncadd.s32 $0xFFFF8000;
	s18 =	sshll.u32 @!p1 s17, $0x4;
	s17 =	sshll.u32 @!p1 s17, $0xC  }
0x13: {  	s16 =	sor.u32 $0x40, s15;
	s15 =	sadd.s32 $0x1, s14;
	s18 =	sand.u32 @!p1 $0x70, s18  }
0x14: {  	s17 =	sand.u32 @!p1 $0xFFF8000, s17;
	s19 =	sshll.u32 @!p1 s15, $0xF;
	s18 =	sadd.s32 @!p1 s1, s18  }
0x15: {  	s19 =	sand.u32 @!p1 $0x8000, s19;
	s17 =	sadd.s32 @!p1 s17, s18;
	s18 =	simm.s32 @!p1 $0x80  }
0x16: {  	[tilespmem:s19], [sflag:$0x1] =	stream.strided.gather @!p1 [hbm4b:s17+s18], $0x8000, s20, s18, $0x38;
	[tilespmem:$0x10080] =	vst v63  }
0x17: {  	v5 =	vld [tilespmem:s16+$0xFFFFFFC0]  }
0x18: {  	v6 =	vld [tilespmem:s16+$0x0]  }
0x19: {  	v13 =	vld [tilespmem:s16+$0xFFFFFFE0]  }
0x1a: {  	v16 =	vld [tilespmem:s16+$0xFFFFFFF0]  }
0x1b: {  	v7 =	vld [tilespmem:s16+$0xFFFFFFD0]  }
0x1c: {  	v17 =	vld [tilespmem:s16+$0x20]  }
0x1d: {  	v12 =	vimm.f32 $-Inf;
	v18 =	vld [tilespmem:s16+$0x30]  }
0x1e: {  	v8 =	vimm.s32 $0x0;
	s30 =	simm.s32 $0x0;
	s17 =	sadd.s32 $0x80, s16;
	v10 =	vld [tilespmem:s16+$0x10];
	vm0 =	vgt.f32 v5, v12;
	vm2 =	vgt.f32 v13, v12  }
0x1f: {  	v11 =	vld [tilespmem:s17+$0x0];
	vm3 =	vgt.f32 v16, v12;
	v5 =	vsel vm0, v5, v12;
	v9 =	vsel vm0, s30, v8  }
0x20: {  	v14 =	vld [tilespmem:s17+$0xFFFFFFC0];
	vm0 =	vgt.f32 v7, v12;
	v20 =	vsel vm2, v13, v12;
	vm1 =	vgt.f32 v6, v5  }
0x21: {  	s31 =	simm.s32 $0x4;
	v16 =	vsel vm3, v16, v12;
	v19 =	vsel vm0, v7, v12;
	v15 =	vsel vm1, v6, v5;
	v6 =	vld [tilespmem:s17+$0x10]  }
0x22: {  	vm4 =	vgt.f32 v17, v20;
	v7 =	vld [tilespmem:s17+$0xFFFFFFE0];
	vm5 =	vgt.f32 v18, v16;
	v9 =	vsel vm1, s31, v9  }
0x23: {  	s21 =	simm.s32 $0x3;
	s18 =	simm.s32 $0x7;
	v5 =	vld [tilespmem:s17+$0xFFFFFFD0];
	vm1 =	vgt.f32 v10, v19;
	v12 =	vsel vm4, v17, v20;
	v16 =	vsel vm5, v18, v16  }
0x24: {  	s19 =	simm.s32 $0x17;
	s20 =	simm.s32 $0x2;
	s16 =	simm.s32 $0xF;
	v18 =	vimm.s32 $0x0;
	v17 =	vimm.s32 $0x0;
	v13 =	vsel vm1, v10, v19;
	v10 =	vld [tilespmem:s17+$0xFFFFFFF0]  }
.LBB2_3:
0x25: {  	p1 =	sne.s32 s19, $0x7FF;
	vm6 =	vgt.f32 v14, v15;
	v19 =	vld [tilespmem:s17+$0x20];
	v8 =	vsel vm2, s20, v8;
	v18 =	vsel vm3, s21, v18;
	s20 =	sadd.s32 $0xFFFFFFFF, s18  }
0x26: {  	s21 =	sadd.s32 $0xFFFFFFF9, s16;
	s22 =	sadd.s32 $0xFFFFFFFA, s18;
	v15 =	vsel vm6, v14, v15;
	v20 =	vld [tilespmem:s17+$0x30];
	s17 =	sadd.s32 $0x80, s17;
	v8 =	vsel vm4, s20, v8;
	v18 =	vsel vm5, s18, v18;
	v21 =	vmovc v6  }
0x27: {  	v6 =	vsel vm6, s21, v9;
	s20 =	sadd.s32 $0xFFFFFFFD, s16;
	v17 =	vsel vm0, s22, v17;
	s21 =	sadd.s32 $0xFFFFFFFE, s18;
	s18 =	smov.u32 s16;
	v22 =	vld [tilespmem:s17+$0x0];
	vm2 =	vgt.f32 v11, v15  }
.Ltmp0:
0x28: {  	s16 =	smov.u32 s19;
	v17 =	vsel vm1, s21, v17;
	v14 =	vld [tilespmem:s17+$0xFFFFFFC0];
	v15 =	vsel vm2, v11, v15;
	v9 =	vsel vm2, s20, v6;
	(pc) =	sbr.rel @p1 .LBB2_3-.Ltmp0, $4  }
0x29: {  	vm0 =	vgt.f32 v5, v13;
	vm2 =	vgt.f32 v7, v12;
	v6 =	vld [tilespmem:s17+$0x10];
	vm3 =	vgt.f32 v10, v16  }
0x2a: {  	v23 =	vsel vm0, v5, v13;
	v12 =	vsel vm2, v7, v12;
	v5 =	vld [tilespmem:s17+$0xFFFFFFD0];
	v16 =	vsel vm3, v10, v16  }
0x2b: {  	vm1 =	vgt.f32 v21, v23;
	vm4 =	vgt.f32 v19, v12;
	v7 =	vld [tilespmem:s17+$0xFFFFFFE0];
	vm5 =	vgt.f32 v20, v16  }
0x2c: {  	s19 =	sadd.s32 $0x8, s19;
	s21 =	sadd.s32 $0xFFFFFFFC, s18;
	s20 =	sadd.s32 $0xFFFFFFFB, s18;
	v13 =	vsel vm1, v21, v23;
	v12 =	vsel vm4, v19, v12;
	v10 =	vld [tilespmem:s17+$0xFFFFFFF0];
	v16 =	vsel vm5, v20, v16;
	v11 =	vmovc v22  }
0x2d: {  	vm6 =	vgt.f32 v14, v15;
	v8 =	vsel vm2, s20, v8;
	v18 =	vsel vm3, s21, v18;
	s19 =	sadd.s32 $0xFFFFFFFF, s18  }
0x2e: {  	s31 =	sadd.s32 $0xFFFFFFF9, s16;
	s21 =	sadd.s32 $0xFFFFFFFA, s18;
	v14 =	vsel vm6, v14, v15;
	v8 =	vsel vm4, s19, v8;
	v18 =	vsel vm5, s18, v18  }
0x2f: {  	v19 =	vld [tilespmem:s17+$0x20];
	s23 =	sadd.s32 $0xFFFFFFFE, s18;
	v9 =	vsel vm6, s31, v9;
	v17 =	vsel vm0, s21, v17;
	vm9 =	vgt.f32 v11, v14  }
0x30: {  	v58 =	vld [tilespmem:s17+$0x30];
	s22 =	sadd.s32 $0xFFFFFFFD, s16;
	v59 =	vsel vm1, s23, v17;
	vm10 =	vgt.f32 v5, v13;
	v11 =	vsel vm9, v11, v14  }
0x31: {  	s26 =	sadd.s32 $0xFFFFFFFA, s16;
	v9 =	vsel vm9, s22, v9;
	vm11 =	vgt.f32 v7, v12;
	v5 =	vsel vm10, v5, v13  }
0x32: {  	s24 =	sadd.s32 $0xFFFFFFFB, s16;
	v61 =	vsel vm10, s26, v59;
	vm12 =	vgt.f32 v10, v16;
	v7 =	vsel vm11, v7, v12  }
0x33: {  	s25 =	sadd.s32 $0xFFFFFFFC, s16;
	vm13 =	vgt.f32 v6, v5;
	v8 =	vsel vm11, s24, v8;
	v10 =	vsel vm12, v10, v16  }
0x34: {  	s29 =	sadd.s32 $0xFFFFFFFE, s16;
	vm14 =	vgt.f32 v19, v7;
	v5 =	vsel vm13, v6, v5;
	v60 =	vsel vm12, s25, v18  }
0x35: {  	s28 =	sadd.s32 $0xFFFFFFFF, s16;
	v12 =	vsel vm13, s29, v61;
	vm15 =	vgt.f32 v58, v10;
	v6 =	vsel vm14, v19, v7  }
0x36: {  	v8 =	vsel vm14, s28, v8;
	vm8 =	vgt.f32 v5, v11;
	vm9 =	veq.f32 v5, v11  }
0x37: {  	vm10 =	vlt.s32 v12, v9;
	v7 =	vsel vm15, v58, v10;
	v10 =	vsel vm15, s16, v60  }
0x38: {  	vm1 =	vmand vm9, vm10;
	vm11 =	veq.f32 v7, v6;
	vm12 =	vlt.s32 v10, v8  }
0x39: {  	vm0 =	vmor vm8, vm1;
	vm13 =	vgt.f32 v7, v6;
	vm2 =	vmand vm11, vm12  }
0x3a: {  	v5 =	vsel vm0, v5, v11;
	vm1 =	vmor vm13, vm2  }
0x3b: {  	v9 =	vsel vm0, v12, v9;
	v6 =	vsel vm1, v7, v6;
	v7 =	vsel vm1, v10, v8  }
0x3c: {  	vm14 =	veq.f32 v6, v5;
	vm1 =	vlt.s32 v7, v9  }
0x3d: {  	vm15 =	vgt.f32 v6, v5;
	vm0 =	vmand vm14, vm1  }
0x3e: {  	vm0 =	vmor vm15, vm0  }
0x3f: {  	v7 =	vsel vm0, v7, v9  }
0x40: {  	v7 =	vshll.u32 v7, $0x4  }
0x41: {  	v5 =	vsel vm0, v6, v5;
	v6 =	vor.u32 v0, v7  }
0x42: {  	v7 =	vperm.xlane v5, v1;
	v62 =	vperm.xlane v6, v1;
	_ =	sdelay $0x1  }
0x43: {  	vm0 =	veq.f32 v7, v5;
	vm4 =	vlt.s32 v62, v6  }
0x44: {  	vm5 =	vgt.f32 v7, v5;
	vm0 =	vmand vm0, vm4  }
0x45: {  	vm0 =	vmor vm5, vm0  }
0x46: {  	v5 =	vsel vm0, v7, v5;
	v6 =	vsel vm0, v62, v6  }
0x47: {  	v7 =	vperm.xlane v5, v2;
	v8 =	vperm.xlane v6, v2;
	_ =	sdelay $0x1  }
0x48: {  	vm6 =	veq.f32 v7, v5;
	vm7 =	vlt.s32 v8, v6  }
0x49: {  	vm8 =	vgt.f32 v7, v5;
	vm0 =	vmand vm6, vm7  }
0x4a: {  	vm0 =	vmor vm8, vm0  }
0x4b: {  	v5 =	vsel vm0, v7, v5;
	v6 =	vsel vm0, v8, v6  }
0x4c: {  	v7 =	vperm.xlane v5, v3;
	v8 =	vperm.xlane v6, v3;
	_ =	sdelay $0x1  }
0x4d: {  	vm9 =	veq.f32 v7, v5;
	vm10 =	vlt.s32 v8, v6  }
0x4e: {  	vm11 =	vgt.f32 v7, v5;
	vm0 =	vmand vm9, vm10  }
0x4f: {  	vm0 =	vmor vm11, vm0  }
0x50: {  	v5 =	vsel vm0, v7, v5;
	v6 =	vsel vm0, v8, v6  }
0x51: {  	s30 =	sand.u32 $0x10, s14;
	v7 =	vperm.xlane v5, v4;
	v8 =	vperm.xlane v6, v4  }
0x52: {  	v63 =	vld [tilespmem:s30+$0x10000]  }
0x53: {  	p1 =	sne.s32 s15, $0x1C;
	vm12 =	veq.f32 v7, v5;
	vm13 =	vlt.s32 v8, v6  }
.Ltmp1:
0x54: {  	s31 =	sand.u32 $0xF, s14;
	vm14 =	vgt.f32 v7, v5;
	vm0 =	vmand vm12, vm13;
	(pc) =	sbr.rel @p1 .LBB2_2-.Ltmp1, $4  }
0x55: {  	v5 =	vmov s31;
	vm0 =	vmor vm14, vm0  }
0x56: {  	vm15 =	veq.s32 v5, v0;
	v6 =	vsel vm0, v8, v6  }
0x57: {  	v5 =	vsel vm15, v6, v63  }
0x58: {  	p0 =	por !p0, !p0;
	s14 =	smov.u32 s15;
	[tilespmem:s30+$0x10000] =	vst v5  }
0x59: {  	s13 =	sadd.s32 $0x1, s13  }
0x5a: {  	p0 =	sne.s32 s13, s7  }
.Ltmp2:
0x5b: {  	_ = 	snop;
	(pc) =	sbr.rel @p0 .LBB2_1-.Ltmp2, $4  }
0x5c: {  	[hbm4b:s6+s3] =	stream.linear.scatter [tilespmem:s11], [sflag:$0x2], $0x20, $0x38;
	[tilespmem:$0x10080] =	vst v63  }
0x5d: {  	_ =	swait.ge [sflag:s12], $0x20  }
0x5e: {  	[sflag:s12] =	ssyncset.done $0x0  }
0x5f: {  	[sflag:s12] =	ssyncadd.s32 $0xFFFFFFE0  }
0x60: {  	_ =	sfence.sel $0x180000  }
0x61: {  	[bflag:$0x0] =	sbarrier.arrive $0xFFFF  }
0x62: {  	p0 =	sne.s32 s0, $0x0;
	_ =	strace $0x90000047  }
0x63: {  	s0 =	sadd.s32 @!p0 $0x100000, s2;
	[bflag:$0x2] =	sbarrier.arrive $0xFFFF  }
0x64: {  	[sflag:s0] =	ssyncadd.tile.s32 @!p0 $0x1;
	_ =	shalt  }
.Lfunc_end2:
_tile_overlayer_lowered:
.L_overlay_start_2:
0x65: {  	(tag) =	ssettag $0x2  }
0x66: {  	s0 =	rddreg [dreg:$0x0];
	s2 =	stileid.u32  }
0x67: {  	s1 =	rddreg [dreg:$0x1];
	p0 =	sne.s32 s2, $0x0  }
0x68: {  	s3 =	rddreg [dreg:$0x2];
	[bflag:$0x3] =	sbarrier.arrive $0xFFFF;
	s2 =	simm.s32 @!p0 $0x1C02  }
0x69: {  	[timem:s3], [sflag:s2] =	dma.local @!p0 [hbm:s0], s1  }
0x6a: {  	s0 =	simm.s32 @!p0 $0x2  }
0x6b: {  	_ =	swait.ge @!p0 [sflag:s0], s1  }
0x6c: {  	s1 =	ssub.s32 @!p0 $0x0, s1;
	[sflag:s0] =	ssyncset.done @!p0 $0x0  }
0x6d: {  	[sflag:s0] =	ssyncadd.s32 @!p0 s1  }
0x6e: {  	[bflag:$0x3] =	sbarrier.arrive $0xFFFF  }
0x6f: {  	_ =	shalt  }

</sc_bundles>
